<compile_context>
chip_gen: v7x
topology: tpu7x:2x2x1
jax: 0.10.2.dev20260603
libtpu: 0.0.44.dev20260713+nightly
codegen_flags: <defaults>
</compile_context>

<pallas_src>
import functools

import jax
import jax.numpy as jnp
from jax import lax
from jax.experimental import pallas as pl
from jax.experimental.pallas import tpu as pltpu
from jax.experimental.pallas import tpu_sc as plsc

_S = 2
_S3 = _S * _S * _S
_NBUF = 4
_LANES = 16
_NWORKERS = 32


def _data_body(data_ref, out_any, dbuf, sems):
    i = pl.program_id(0)
    nsteps = pl.num_programs(0)
    bn = data_ref.shape[0]
    c = data_ref.shape[1]
    slot = lax.rem(i, _NBUF)

    @pl.when(i >= _NBUF)
    def _wait_prev():
        pltpu.make_async_copy(
            dbuf.at[slot],
            out_any.at[pl.ds((i - _NBUF) * bn, bn)],
            sems.at[slot],
        ).wait()

    dbuf[slot] = jnp.broadcast_to(data_ref[...][:, None, :], (bn, _S3, c))
    pltpu.make_async_copy(
        dbuf.at[slot],
        out_any.at[pl.ds(i * bn, bn)],
        sems.at[slot],
    ).start()

    @pl.when(i == nsteps - 1)
    def _drain():
        for k in range(_NBUF):
            step = nsteps - _NBUF + k
            s = lax.rem(step, _NBUF)
            pltpu.make_async_copy(
                dbuf.at[s],
                out_any.at[pl.ds(step * bn, bn)],
                sems.at[s],
            ).wait()


def _group_tables():
    import numpy as np

    e = np.arange(48)
    i2 = e // 24
    rem = e % 24
    kcorner = rem // 3
    comp = rem % 3
    src_rel = (3 * i2 + comp).astype(np.int32)
    off = ((kcorner >> (2 - comp)) & 1).astype(np.int32)
    return jnp.asarray(src_rel), jnp.asarray(off)


def _ijk_sc_body(ijk_hbm, joff_hbm, stab_hbm, otab_hbm, out_hbm, joff_out,
                 ibuf, obuf, jbuf, stab, otab):
    wid = lax.axis_index("s") * 2 + lax.axis_index("c")
    in_len = ibuf.shape[0]
    out_len = obuf.shape[0]
    pltpu.sync_copy(ijk_hbm.at[pl.ds(wid * in_len, in_len)], ibuf)
    pltpu.sync_copy(stab_hbm, stab)
    pltpu.sync_copy(otab_hbm, otab)

    ngroups = out_len // 48

    def body(g, carry):
        b6 = 6 * g
        b48 = 48 * g
        for m in range(3):
            src = b6 + stab[pl.ds(16 * m, _LANES)]
            val = plsc.load_gather(ibuf, [src]) * _S + otab[pl.ds(16 * m, _LANES)]
            obuf[pl.ds(b48 + 16 * m, _LANES)] = val
        return carry

    lax.fori_loop(0, ngroups, body, 0)
    pltpu.sync_copy(obuf, out_hbm.at[pl.ds(wid * out_len, out_len)])

    @pl.when(wid == 0)
    def _joff():
        pltpu.sync_copy(joff_hbm, jbuf)
        jbuf[...] = jbuf[...] * _S3
        pltpu.sync_copy(jbuf, joff_out)


def kernel(coarse_data, coarse_ijk, joffsets):
    n, c = coarse_data.shape
    nj = joffsets.shape[0]
    bn = 1024
    grid = n // bn

    fine3 = pl.pallas_call(
        _data_body,
        grid=(grid,),
        in_specs=[pl.BlockSpec((bn, c), lambda i: (i, 0))],
        out_specs=pl.BlockSpec(memory_space=pl.ANY),
        out_shape=jax.ShapeDtypeStruct((n, _S3, c), coarse_data.dtype),
        scratch_shapes=[
            pltpu.VMEM((_NBUF, bn, _S3, c), coarse_data.dtype),
            pltpu.SemaphoreType.DMA((_NBUF,)),
        ],
        cost_estimate=pl.CostEstimate(
            flops=0,
            transcendentals=0,
            bytes_accessed=(n * c + n * _S3 * c) * 4,
        ),
    )(coarse_data)

    vox_per_w = n // _NWORKERS
    in_len = 3 * vox_per_w
    out_len = 3 * _S3 * vox_per_w
    joff_pad = jnp.pad(joffsets, (0, _LANES - nj))
    stab, otab = _group_tables()
    ijk_flat, joff16 = pl.kernel(
        _ijk_sc_body,
        out_type=[
            jax.ShapeDtypeStruct((3 * _S3 * n,), coarse_ijk.dtype),
            jax.ShapeDtypeStruct((_LANES,), joffsets.dtype),
        ],
        mesh=plsc.VectorSubcoreMesh(
            core_axis_name="c", subcore_axis_name="s", num_cores=2, num_subcores=16
        ),
        scratch_types=[
            pltpu.VMEM((in_len,), jnp.int32),
            pltpu.VMEM((out_len,), jnp.int32),
            pltpu.VMEM((_LANES,), jnp.int32),
            pltpu.VMEM((48,), jnp.int32),
            pltpu.VMEM((48,), jnp.int32),
        ],
        compiler_params=pltpu.CompilerParams(needs_layout_passes=False),
    )(coarse_ijk.reshape(3 * n), joff_pad, stab, otab)

    return (
        fine3.reshape(n * _S3, c),
        ijk_flat.reshape(n * _S3, 3),
        joff16[:nj],
    )

# --- scband reference (transcript-rebuilt; emitter-appended) ---
"""Pipeline reference for scband-upsampling-nearest-22359599743097 (READ-ONLY COPY).

The authoritative reference and input builder live on the scoring server;
editing this copy changes nothing except your own understanding.
"""

import jax, jax.numpy as jnp
import numpy as np

SCALE = 2  # scale_factor broadcast to (2,2,2)


def setup_inputs(seed: int = 0) -> dict:
    key = jax.random.key(seed)
    k1, k2, k3 = jax.random.split(key, 3)
    N, C, B = 32768, 128, 8
    coarse_data = jax.random.normal(k1, (N, C), dtype=jnp.float32)
    coarse_ijk = jax.random.randint(k2, (N, 3), 0, 256, dtype=jnp.int32)
    interior = jnp.sort(jax.random.randint(k3, (B - 1,), 0, N, dtype=jnp.int32))
    joffsets = jnp.concatenate([
        jnp.array([0], dtype=jnp.int32), interior, jnp.array([N], dtype=jnp.int32)
    ])
    return {"coarse_data": coarse_data, "coarse_ijk": coarse_ijk, "joffsets": joffsets}


def reference(coarse_data, coarse_ijk, joffsets):
    # GridBatch.subdivide(scale, coarse_data) with nearest upsampling:
    # each coarse voxel at ijk spawns scale^3 fine voxels at ijk*scale + offset,
    # each carrying a copy of the coarse voxel's feature vector.
    s = SCALE
    s3 = s * s * s
    r = jnp.arange(s)
    offsets = jnp.stack(jnp.meshgrid(r, r, r, indexing='ij'), axis=-1).reshape(-1, 3)
    offsets = offsets.astype(coarse_ijk.dtype)
    fine_ijk = (coarse_ijk[:, None, :] * s + offsets[None, :, :]).reshape(-1, 3)
    fine_data = jnp.repeat(coarse_data, s3, axis=0)
    fine_joffsets = (joffsets * s3).astype(joffsets.dtype)
    return fine_data, fine_ijk, fine_joffsets

if __name__ == "__main__":
    import jax
    _d = setup_inputs()
    print(jax.jit(kernel)(*tuple(_d.values())))

</pallas_src>

<mosaic_0001>
#map = affine_map<(d0, d1) -> (0)>
module attributes {stable_mosaic.version = 14 : i64} {
  func.func @_ijk_sc_body(%arg0: i32, %arg1: i32, %arg2: memref<98304xi32, #tpu.memory_space<hbm>>, %arg3: memref<16xi32, #tpu.memory_space<hbm>>, %arg4: memref<48xi32, #tpu.memory_space<hbm>>, %arg5: memref<48xi32, #tpu.memory_space<hbm>>, %arg6: memref<786432xi32, #tpu.memory_space<hbm>>, %arg7: memref<16xi32, #tpu.memory_space<hbm>>, %arg8: memref<3072xi32, #tpu.memory_space<vmem>>, %arg9: memref<24576xi32, #tpu.memory_space<vmem>>, %arg10: memref<16xi32, #tpu.memory_space<vmem>>, %arg11: memref<48xi32, #tpu.memory_space<vmem>>, %arg12: memref<48xi32, #tpu.memory_space<vmem>>) attributes {dimension_semantics = [#tpu.dimension_semantics<core_parallel>, #tpu.dimension_semantics<subcore_parallel>], iteration_bounds = array<i64: 2, 16>, scalar_prefetch = 0 : i64, scratch_operands = 5 : i64, tpu.core_type = #tpu.core_type<sc_vector_subcore>, window_params = [{transform_indices = #map}, {transform_indices = #map}, {transform_indices = #map}, {transform_indices = #map}, {transform_indices = #map}, {transform_indices = #map}]} {
    %mul3A = arith.constant 2 : i32
    %mul3A_0 = arith.muli %arg1, %mul3A : i32
    %add3A = arith.addi %mul3A_0, %arg0 : i32
    %mul3A_1 = arith.constant 3072 : i32
    %mul3A_2 = arith.muli %add3A, %mul3A_1 : i32
    "tpu.region"() ({
      %run_scoped3A = tpu.sem_alloc : memref<!tpu.dma_semaphore, #tpu.memory_space<semaphore_mem>>
      %dma_start3A = tpu.memref_slice %arg2[%mul3A_2] : memref<98304xi32, #tpu.memory_space<hbm>> -> memref<3072xi32, #tpu.memory_space<hbm>>
      %dma_start3A_12 = tpu.memref_slice %arg2[%mul3A_2] : memref<98304xi32, #tpu.memory_space<hbm>> -> memref<3072xi32, #tpu.memory_space<hbm>>
      tpu.enqueue_dma source(%dma_start3A_12 : memref<3072xi32, #tpu.memory_space<hbm>>) target(%arg8 : memref<3072xi32, #tpu.memory_space<vmem>>) target_semaphore(%run_scoped3A : memref<!tpu.dma_semaphore, #tpu.memory_space<semaphore_mem>>)
      %dma_wait3A = tpu.memref_slice %arg2[%mul3A_2] : memref<98304xi32, #tpu.memory_space<hbm>> -> memref<3072xi32, #tpu.memory_space<hbm>>
      %dma_wait3A_13 = tpu.memref_slice %arg2[%mul3A_2] : memref<98304xi32, #tpu.memory_space<hbm>> -> memref<3072xi32, #tpu.memory_space<hbm>>
      tpu.wait_dma2 semaphore(%run_scoped3A : memref<!tpu.dma_semaphore, #tpu.memory_space<semaphore_mem>>) src(%dma_wait3A_13 : memref<3072xi32, #tpu.memory_space<hbm>>) dst(%arg8 : memref<3072xi32, #tpu.memory_space<vmem>>)
      tpu.yield
    }) : () -> ()
    "tpu.region"() ({
      %run_scoped3A = tpu.sem_alloc : memref<!tpu.dma_semaphore, #tpu.memory_space<semaphore_mem>>
      tpu.enqueue_dma source(%arg4 : memref<48xi32, #tpu.memory_space<hbm>>) target(%arg11 : memref<48xi32, #tpu.memory_space<vmem>>) target_semaphore(%run_scoped3A : memref<!tpu.dma_semaphore, #tpu.memory_space<semaphore_mem>>)
      tpu.wait_dma2 semaphore(%run_scoped3A : memref<!tpu.dma_semaphore, #tpu.memory_space<semaphore_mem>>) src(%arg4 : memref<48xi32, #tpu.memory_space<hbm>>) dst(%arg11 : memref<48xi32, #tpu.memory_space<vmem>>)
      tpu.yield
    }) : () -> ()
    "tpu.region"() ({
      %run_scoped3A = tpu.sem_alloc : memref<!tpu.dma_semaphore, #tpu.memory_space<semaphore_mem>>
      tpu.enqueue_dma source(%arg5 : memref<48xi32, #tpu.memory_space<hbm>>) target(%arg12 : memref<48xi32, #tpu.memory_space<vmem>>) target_semaphore(%run_scoped3A : memref<!tpu.dma_semaphore, #tpu.memory_space<semaphore_mem>>)
      tpu.wait_dma2 semaphore(%run_scoped3A : memref<!tpu.dma_semaphore, #tpu.memory_space<semaphore_mem>>) src(%arg5 : memref<48xi32, #tpu.memory_space<hbm>>) dst(%arg12 : memref<48xi32, #tpu.memory_space<vmem>>)
      tpu.yield
    }) : () -> ()
    %scan3A = arith.constant 0 : i32
    %scan3A_3 = arith.constant 0 : i32
    %scan3A_4 = arith.constant 512 : i32
    %scan3A_5 = arith.addi %scan3A_3, %scan3A_4 : i32
    %scan3A_6 = arith.constant 1 : i32
    scf.for %scan3A_12 = %scan3A_3 to %scan3A_5 step %scan3A_6  : i32 {
      %mul3A_13 = arith.constant 6 : i32
      %mul3A_14 = arith.muli %mul3A_13, %scan3A_12 : i32
      %mul3A_15 = arith.constant 48 : i32
      %mul3A_16 = arith.muli %mul3A_15, %scan3A_12 : i32
      %get3A = arith.constant 0 : index
      %get3A_17 = tpu.vector_load %arg11[%get3A] {strides = array<i32>} : memref<48xi32, #tpu.memory_space<vmem>>, vector<16xi32>,
      %add3A_18 = vector.broadcast %mul3A_14 : i32 to vector<16xi32>
      %add3A_19 = arith.addi %add3A_18, %get3A_17 : vector<16xi32>
      %gather3A = tpu.vector_load_idx %arg8[%add3A_19] : memref<3072xi32, #tpu.memory_space<vmem>>[vector<16xi32>], vector<16xi32>,
      %mul3A_20 = arith.constant 2 : i32
      %mul3A_21 = vector.broadcast %mul3A_20 : i32 to vector<16xi32>
      %mul3A_22 = arith.muli %gather3A, %mul3A_21 : vector<16xi32>
      %get3A_23 = arith.constant 0 : index
      %get3A_24 = tpu.vector_load %arg12[%get3A_23] {strides = array<i32>} : memref<48xi32, #tpu.memory_space<vmem>>, vector<16xi32>,
      %add3A_25 = arith.addi %mul3A_22, %get3A_24 : vector<16xi32>
      %add3A_26 = arith.constant 0 : i32
      %add3A_27 = arith.addi %mul3A_16, %add3A_26 : i32
      %swap3A = arith.index_cast %add3A_27 : i32 to index
      %swap3A_28 = tpu.vector_load %arg9[%swap3A] {strides = array<i32>} : memref<24576xi32, #tpu.memory_space<vmem>>, vector<16xi32>,
      tpu.vector_store %arg9[%swap3A], %add3A_25 {strides = array<i32>} : memref<24576xi32, #tpu.memory_space<vmem>>, vector<16xi32>,
      %get3A_29 = arith.constant 16 : index
      %get3A_30 = tpu.vector_load %arg11[%get3A_29] {strides = array<i32>} : memref<48xi32, #tpu.memory_space<vmem>>, vector<16xi32>,
      %add3A_31 = vector.broadcast %mul3A_14 : i32 to vector<16xi32>
      %add3A_32 = arith.addi %add3A_31, %get3A_30 : vector<16xi32>
      %gather3A_33 = tpu.vector_load_idx %arg8[%add3A_32] : memref<3072xi32, #tpu.memory_space<vmem>>[vector<16xi32>], vector<16xi32>,
      %mul3A_34 = arith.constant 2 : i32
      %mul3A_35 = vector.broadcast %mul3A_34 : i32 to vector<16xi32>
      %mul3A_36 = arith.muli %gather3A_33, %mul3A_35 : vector<16xi32>
      %get3A_37 = arith.constant 16 : index
      %get3A_38 = tpu.vector_load %arg12[%get3A_37] {strides = array<i32>} : memref<48xi32, #tpu.memory_space<vmem>>, vector<16xi32>,
      %add3A_39 = arith.addi %mul3A_36, %get3A_38 : vector<16xi32>
      %add3A_40 = arith.constant 16 : i32
      %add3A_41 = arith.addi %mul3A_16, %add3A_40 : i32
      %swap3A_42 = arith.index_cast %add3A_41 : i32 to index
      %swap3A_43 = tpu.vector_load %arg9[%swap3A_42] {strides = array<i32>} : memref<24576xi32, #tpu.memory_space<vmem>>, vector<16xi32>,
      tpu.vector_store %arg9[%swap3A_42], %add3A_39 {strides = array<i32>} : memref<24576xi32, #tpu.memory_space<vmem>>, vector<16xi32>,
      %get3A_44 = arith.constant 32 : index
      %get3A_45 = tpu.vector_load %arg11[%get3A_44] {strides = array<i32>} : memref<48xi32, #tpu.memory_space<vmem>>, vector<16xi32>,
      %add3A_46 = vector.broadcast %mul3A_14 : i32 to vector<16xi32>
      %add3A_47 = arith.addi %add3A_46, %get3A_45 : vector<16xi32>
      %gather3A_48 = tpu.vector_load_idx %arg8[%add3A_47] : memref<3072xi32, #tpu.memory_space<vmem>>[vector<16xi32>], vector<16xi32>,
      %mul3A_49 = arith.constant 2 : i32
      %mul3A_50 = vector.broadcast %mul3A_49 : i32 to vector<16xi32>
      %mul3A_51 = arith.muli %gather3A_48, %mul3A_50 : vector<16xi32>
      %get3A_52 = arith.constant 32 : index
      %get3A_53 = tpu.vector_load %arg12[%get3A_52] {strides = array<i32>} : memref<48xi32, #tpu.memory_space<vmem>>, vector<16xi32>,
      %add3A_54 = arith.addi %mul3A_51, %get3A_53 : vector<16xi32>
      %add3A_55 = arith.constant 32 : i32
      %add3A_56 = arith.addi %mul3A_16, %add3A_55 : i32
      %swap3A_57 = arith.index_cast %add3A_56 : i32 to index
      %swap3A_58 = tpu.vector_load %arg9[%swap3A_57] {strides = array<i32>} : memref<24576xi32, #tpu.memory_space<vmem>>, vector<16xi32>,
      tpu.vector_store %arg9[%swap3A_57], %add3A_54 {strides = array<i32>} : memref<24576xi32, #tpu.memory_space<vmem>>, vector<16xi32>,
    }
    %scan3A_7 = arith.constant 512 : i32
    %mul3A_8 = arith.constant 24576 : i32
    %mul3A_9 = arith.muli %add3A, %mul3A_8 : i32
    "tpu.region"() ({
      %run_scoped3A = tpu.sem_alloc : memref<!tpu.dma_semaphore, #tpu.memory_space<semaphore_mem>>
      %dma_start3A = tpu.memref_slice %arg6[%mul3A_9] : memref<786432xi32, #tpu.memory_space<hbm>> -> memref<24576xi32, #tpu.memory_space<hbm>>
      %dma_start3A_12 = tpu.memref_slice %arg6[%mul3A_9] : memref<786432xi32, #tpu.memory_space<hbm>> -> memref<24576xi32, #tpu.memory_space<hbm>>
      tpu.enqueue_dma source(%arg9 : memref<24576xi32, #tpu.memory_space<vmem>>) target(%dma_start3A_12 : memref<24576xi32, #tpu.memory_space<hbm>>) target_semaphore(%run_scoped3A : memref<!tpu.dma_semaphore, #tpu.memory_space<semaphore_mem>>)
      %dma_wait3A = tpu.memref_slice %arg6[%mul3A_9] : memref<786432xi32, #tpu.memory_space<hbm>> -> memref<24576xi32, #tpu.memory_space<hbm>>
      %dma_wait3A_13 = tpu.memref_slice %arg6[%mul3A_9] : memref<786432xi32, #tpu.memory_space<hbm>> -> memref<24576xi32, #tpu.memory_space<hbm>>
      tpu.wait_dma2 semaphore(%run_scoped3A : memref<!tpu.dma_semaphore, #tpu.memory_space<semaphore_mem>>) src(%arg9 : memref<24576xi32, #tpu.memory_space<vmem>>) dst(%dma_wait3A_13 : memref<24576xi32, #tpu.memory_space<hbm>>)
      tpu.yield
    }) : () -> ()
    %eq3A = arith.constant 0 : i32
    %eq3A_10 = arith.cmpi eq, %add3A, %eq3A : i32
    %convert_element_type3A = arith.extui %eq3A_10 : i1 to i32
    %cond3A = arith.constant 0 : i32
    %cond3A_11 = arith.cmpi ne, %convert_element_type3A, %cond3A : i32
    scf.if %cond3A_11 {
      "tpu.region"() ({
        %run_scoped3A = tpu.sem_alloc : memref<!tpu.dma_semaphore, #tpu.memory_space<semaphore_mem>>
        tpu.enqueue_dma source(%arg3 : memref<16xi32, #tpu.memory_space<hbm>>) target(%arg10 : memref<16xi32, #tpu.memory_space<vmem>>) target_semaphore(%run_scoped3A : memref<!tpu.dma_semaphore, #tpu.memory_space<semaphore_mem>>)
        tpu.wait_dma2 semaphore(%run_scoped3A : memref<!tpu.dma_semaphore, #tpu.memory_space<semaphore_mem>>) src(%arg3 : memref<16xi32, #tpu.memory_space<hbm>>) dst(%arg10 : memref<16xi32, #tpu.memory_space<vmem>>)
        tpu.yield
      }) : () -> ()
      %get3A = arith.constant 0 : index
      %get3A_12 = tpu.vector_load %arg10[%get3A] {strides = array<i32>} : memref<16xi32, #tpu.memory_space<vmem>>, vector<16xi32>,
      %mul3A_13 = arith.constant 8 : i32
      %mul3A_14 = vector.broadcast %mul3A_13 : i32 to vector<16xi32>
      %mul3A_15 = arith.muli %get3A_12, %mul3A_14 : vector<16xi32>
      %swap3A = arith.constant 0 : index
      %swap3A_16 = tpu.vector_load %arg10[%swap3A] {strides = array<i32>} : memref<16xi32, #tpu.memory_space<vmem>>, vector<16xi32>,
      tpu.vector_store %arg10[%swap3A], %mul3A_15 {strides = array<i32>} : memref<16xi32, #tpu.memory_space<vmem>>, vector<16xi32>,
      "tpu.region"() ({
        %run_scoped3A = tpu.sem_alloc : memref<!tpu.dma_semaphore, #tpu.memory_space<semaphore_mem>>
        tpu.enqueue_dma source(%arg10 : memref<16xi32, #tpu.memory_space<vmem>>) target(%arg7 : memref<16xi32, #tpu.memory_space<hbm>>) target_semaphore(%run_scoped3A : memref<!tpu.dma_semaphore, #tpu.memory_space<semaphore_mem>>)
        tpu.wait_dma2 semaphore(%run_scoped3A : memref<!tpu.dma_semaphore, #tpu.memory_space<semaphore_mem>>) src(%arg10 : memref<16xi32, #tpu.memory_space<vmem>>) dst(%arg7 : memref<16xi32, #tpu.memory_space<hbm>>)
        tpu.yield
      }) : () -> ()
    } else {
    }
    return
  }
}

module attributes {stable_mosaic.version = 14 : i64} {
  func.func @_data_body(%arg0: i32, %arg1: memref<1024x128xf32, #tpu.memory_space<vmem>>, %arg2: memref<32768x8x128xf32, #tpu.memory_space<any>>, %arg3: memref<4x1024x8x128xf32, #tpu.memory_space<vmem>>, %arg4: memref<4x!tpu.dma_semaphore, #tpu.memory_space<semaphore_mem>>) attributes {dimension_semantics = [#tpu.dimension_semantics<arbitrary>], iteration_bounds = array<i64: 32>, scalar_prefetch = 0 : i64, scratch_operands = 2 : i64, tpu.core_type = #tpu.core_type<tc>, window_params = [{transform_indices = @transform_0, window_bounds = array<i64: 1024, 128>}, {}]} {
    %rem3A = arith.constant 4 : i32
    %rem3A_0 = arith.remsi %arg0, %rem3A : i32
    %ge3A = arith.constant 4 : i32
    %ge3A_1 = arith.cmpi sge, %arg0, %ge3A : i32
    %convert_element_type3A = arith.extui %ge3A_1 : i1 to i32
    %cond3A = arith.constant 0 : i32
    %cond3A_2 = arith.cmpi ne, %convert_element_type3A, %cond3A : i32
    scf.if %cond3A_2 {
      %sub3A = arith.constant 4 : i32
      %sub3A_27 = arith.subi %arg0, %sub3A : i32
      %mul3A_28 = arith.constant 1024 : i32
      %mul3A_29 = arith.muli %sub3A_27, %mul3A_28 : i32
      %dma_wait3A = tpu.memref_slice %arg4[%rem3A_0] : memref<4x!tpu.dma_semaphore, #tpu.memory_space<semaphore_mem>> -> memref<1x!tpu.dma_semaphore, #tpu.memory_space<semaphore_mem>>
      %dma_wait3A_30 = tpu.memref_squeeze %dma_wait3A : memref<1x!tpu.dma_semaphore, #tpu.memory_space<semaphore_mem>> -> memref<!tpu.dma_semaphore, #tpu.memory_space<semaphore_mem>>
      %dma_wait3A_31 = arith.constant 0 : i32
      %dma_wait3A_32 = arith.constant 0 : i32
      %dma_wait3A_33 = tpu.memref_slice %arg2[%mul3A_29, %dma_wait3A_31, %dma_wait3A_32] : memref<32768x8x128xf32, #tpu.memory_space<any>> -> memref<1024x8x128xf32, #tpu.memory_space<any>>
      %dma_wait3A_34 = arith.constant 0 : i32
      %dma_wait3A_35 = arith.constant 0 : i32
      %dma_wait3A_36 = arith.constant 0 : i32
      %dma_wait3A_37 = tpu.memref_slice %arg3[%rem3A_0, %dma_wait3A_34, %dma_wait3A_35, %dma_wait3A_36] : memref<4x1024x8x128xf32, #tpu.memory_space<vmem>> -> memref<1x1024x8x128xf32, #tpu.memory_space<vmem>>
      %dma_wait3A_38 = tpu.memref_squeeze %dma_wait3A_37 : memref<1x1024x8x128xf32, #tpu.memory_space<vmem>> -> memref<1024x8x128xf32, #tpu.memory_space<vmem>>
      tpu.wait_dma2 semaphore(%dma_wait3A_30 : memref<!tpu.dma_semaphore, #tpu.memory_space<semaphore_mem>>) src(%dma_wait3A_38 : memref<1024x8x128xf32, #tpu.memory_space<vmem>>) dst(%dma_wait3A_33 : memref<1024x8x128xf32, #tpu.memory_space<any>>)
    } else {
    }
    %get3A = arith.constant 0 : index
    %get3A_3 = arith.constant 0 : index
    %get3A_4 = vector.load %arg1[%get3A, %get3A_3] : memref<1024x128xf32, #tpu.memory_space<vmem>>, vector<1024x128xf32>
    %broadcast_in_dim3A = vector.shape_cast %get3A_4 : vector<1024x128xf32> to vector<1024x1x128xf32>
    %broadcast_in_dim3A_5 = vector.shape_cast %broadcast_in_dim3A : vector<1024x1x128xf32> to vector<1024x1x128xf32>
    %broadcast_in_dim3A_6 = vector.broadcast %broadcast_in_dim3A_5 : vector<1024x1x128xf32> to vector<1024x8x128xf32>
    %swap3A = arith.index_cast %rem3A_0 : i32 to index
    %swap3A_7 = arith.constant 0 : index
    %swap3A_8 = arith.constant 0 : index
    %swap3A_9 = arith.constant 0 : index
    %swap3A_10 = vector.load %arg3[%swap3A, %swap3A_7, %swap3A_8, %swap3A_9] : memref<4x1024x8x128xf32, #tpu.memory_space<vmem>>, vector<1x1024x8x128xf32>
    %swap3A_11 = vector.shape_cast %swap3A_10 : vector<1x1024x8x128xf32> to vector<1024x8x128xf32>
    %swap3A_12 = vector.shape_cast %broadcast_in_dim3A_6 : vector<1024x8x128xf32> to vector<1x1024x8x128xf32>
    tpu.vector_store %arg3[%swap3A, %swap3A_7, %swap3A_8, %swap3A_9], %swap3A_12 {strides = array<i32>} : memref<4x1024x8x128xf32, #tpu.memory_space<vmem>>, vector<1x1024x8x128xf32>,
    %mul3A = arith.constant 1024 : i32
    %mul3A_13 = arith.muli %arg0, %mul3A : i32
    %dma_start3A = tpu.memref_slice %arg4[%rem3A_0] : memref<4x!tpu.dma_semaphore, #tpu.memory_space<semaphore_mem>> -> memref<1x!tpu.dma_semaphore, #tpu.memory_space<semaphore_mem>>
    %dma_start3A_14 = tpu.memref_squeeze %dma_start3A : memref<1x!tpu.dma_semaphore, #tpu.memory_space<semaphore_mem>> -> memref<!tpu.dma_semaphore, #tpu.memory_space<semaphore_mem>>
    %dma_start3A_15 = arith.constant 0 : i32
    %dma_start3A_16 = arith.constant 0 : i32
    %dma_start3A_17 = tpu.memref_slice %arg2[%mul3A_13, %dma_start3A_15, %dma_start3A_16] : memref<32768x8x128xf32, #tpu.memory_space<any>> -> memref<1024x8x128xf32, #tpu.memory_space<any>>
    %dma_start3A_18 = arith.constant 0 : i32
    %dma_start3A_19 = arith.constant 0 : i32
    %dma_start3A_20 = arith.constant 0 : i32
    %dma_start3A_21 = tpu.memref_slice %arg3[%rem3A_0, %dma_start3A_18, %dma_start3A_19, %dma_start3A_20] : memref<4x1024x8x128xf32, #tpu.memory_space<vmem>> -> memref<1x1024x8x128xf32, #tpu.memory_space<vmem>>
    %dma_start3A_22 = tpu.memref_squeeze %dma_start3A_21 : memref<1x1024x8x128xf32, #tpu.memory_space<vmem>> -> memref<1024x8x128xf32, #tpu.memory_space<vmem>>
    tpu.enqueue_dma source(%dma_start3A_22 : memref<1024x8x128xf32, #tpu.memory_space<vmem>>) target(%dma_start3A_17 : memref<1024x8x128xf32, #tpu.memory_space<any>>) target_semaphore(%dma_start3A_14 : memref<!tpu.dma_semaphore, #tpu.memory_space<semaphore_mem>>)
    %eq3A = arith.constant 31 : i32
    %eq3A_23 = arith.cmpi eq, %arg0, %eq3A : i32
    %convert_element_type3A_24 = arith.extui %eq3A_23 : i1 to i32
    %cond3A_25 = arith.constant 0 : i32
    %cond3A_26 = arith.cmpi ne, %convert_element_type3A_24, %cond3A_25 : i32
    scf.if %cond3A_26 {
      %rem3A_27 = arith.constant 28 : i32
      %rem3A_28 = arith.constant 4 : i32
      %rem3A_29 = arith.remsi %rem3A_27, %rem3A_28 : i32
      %dma_wait3A = tpu.memref_slice %arg4[%rem3A_29] : memref<4x!tpu.dma_semaphore, #tpu.memory_space<semaphore_mem>> -> memref<1x!tpu.dma_semaphore, #tpu.memory_space<semaphore_mem>>
      %dma_wait3A_30 = tpu.memref_squeeze %dma_wait3A : memref<1x!tpu.dma_semaphore, #tpu.memory_space<semaphore_mem>> -> memref<!tpu.dma_semaphore, #tpu.memory_space<semaphore_mem>>
      %dma_wait3A_31 = arith.constant 28672 : i32
      %dma_wait3A_32 = arith.constant 0 : i32
      %dma_wait3A_33 = arith.constant 0 : i32
      %dma_wait3A_34 = tpu.memref_slice %arg2[%dma_wait3A_31, %dma_wait3A_32, %dma_wait3A_33] : memref<32768x8x128xf32, #tpu.memory_space<any>> -> memref<1024x8x128xf32, #tpu.memory_space<any>>
      %dma_wait3A_35 = arith.constant 0 : i32
      %dma_wait3A_36 = arith.constant 0 : i32
      %dma_wait3A_37 = arith.constant 0 : i32
      %dma_wait3A_38 = tpu.memref_slice %arg3[%rem3A_29, %dma_wait3A_35, %dma_wait3A_36, %dma_wait3A_37] : memref<4x1024x8x128xf32, #tpu.memory_space<vmem>> -> memref<1x1024x8x128xf32, #tpu.memory_space<vmem>>
      %dma_wait3A_39 = tpu.memref_squeeze %dma_wait3A_38 : memref<1x1024x8x128xf32, #tpu.memory_space<vmem>> -> memref<1024x8x128xf32, #tpu.memory_space<vmem>>
      tpu.wait_dma2 semaphore(%dma_wait3A_30 : memref<!tpu.dma_semaphore, #tpu.memory_space<semaphore_mem>>) src(%dma_wait3A_39 : memref<1024x8x128xf32, #tpu.memory_space<vmem>>) dst(%dma_wait3A_34 : memref<1024x8x128xf32, #tpu.memory_space<any>>)
      %rem3A_40 = arith.constant 29 : i32
      %rem3A_41 = arith.constant 4 : i32
      %rem3A_42 = arith.remsi %rem3A_40, %rem3A_41 : i32
      %dma_wait3A_43 = tpu.memref_slice %arg4[%rem3A_42] : memref<4x!tpu.dma_semaphore, #tpu.memory_space<semaphore_mem>> -> memref<1x!tpu.dma_semaphore, #tpu.memory_space<semaphore_mem>>
      %dma_wait3A_44 = tpu.memref_squeeze %dma_wait3A_43 : memref<1x!tpu.dma_semaphore, #tpu.memory_space<semaphore_mem>> -> memref<!tpu.dma_semaphore, #tpu.memory_space<semaphore_mem>>
      %dma_wait3A_45 = arith.constant 29696 : i32
      %dma_wait3A_46 = arith.constant 0 : i32
      %dma_wait3A_47 = arith.constant 0 : i32
      %dma_wait3A_48 = tpu.memref_slice %arg2[%dma_wait3A_45, %dma_wait3A_46, %dma_wait3A_47] : memref<32768x8x128xf32, #tpu.memory_space<any>> -> memref<1024x8x128xf32, #tpu.memory_space<any>>
      %dma_wait3A_49 = arith.constant 0 : i32
      %dma_wait3A_50 = arith.constant 0 : i32
      %dma_wait3A_51 = arith.constant 0 : i32
      %dma_wait3A_52 = tpu.memref_slice %arg3[%rem3A_42, %dma_wait3A_49, %dma_wait3A_50, %dma_wait3A_51] : memref<4x1024x8x128xf32, #tpu.memory_space<vmem>> -> memref<1x1024x8x128xf32, #tpu.memory_space<vmem>>
      %dma_wait3A_53 = tpu.memref_squeeze %dma_wait3A_52 : memref<1x1024x8x128xf32, #tpu.memory_space<vmem>> -> memref<1024x8x128xf32, #tpu.memory_space<vmem>>
      tpu.wait_dma2 semaphore(%dma_wait3A_44 : memref<!tpu.dma_semaphore, #tpu.memory_space<semaphore_mem>>) src(%dma_wait3A_53 : memref<1024x8x128xf32, #tpu.memory_space<vmem>>) dst(%dma_wait3A_48 : memref<1024x8x128xf32, #tpu.memory_space<any>>)
      %rem3A_54 = arith.constant 30 : i32
      %rem3A_55 = arith.constant 4 : i32
      %rem3A_56 = arith.remsi %rem3A_54, %rem3A_55 : i32
      %dma_wait3A_57 = tpu.memref_slice %arg4[%rem3A_56] : memref<4x!tpu.dma_semaphore, #tpu.memory_space<semaphore_mem>> -> memref<1x!tpu.dma_semaphore, #tpu.memory_space<semaphore_mem>>
      %dma_wait3A_58 = tpu.memref_squeeze %dma_wait3A_57 : memref<1x!tpu.dma_semaphore, #tpu.memory_space<semaphore_mem>> -> memref<!tpu.dma_semaphore, #tpu.memory_space<semaphore_mem>>
      %dma_wait3A_59 = arith.constant 30720 : i32
      %dma_wait3A_60 = arith.constant 0 : i32
      %dma_wait3A_61 = arith.constant 0 : i32
      %dma_wait3A_62 = tpu.memref_slice %arg2[%dma_wait3A_59, %dma_wait3A_60, %dma_wait3A_61] : memref<32768x8x128xf32, #tpu.memory_space<any>> -> memref<1024x8x128xf32, #tpu.memory_space<any>>
      %dma_wait3A_63 = arith.constant 0 : i32
      %dma_wait3A_64 = arith.constant 0 : i32
      %dma_wait3A_65 = arith.constant 0 : i32
      %dma_wait3A_66 = tpu.memref_slice %arg3[%rem3A_56, %dma_wait3A_63, %dma_wait3A_64, %dma_wait3A_65] : memref<4x1024x8x128xf32, #tpu.memory_space<vmem>> -> memref<1x1024x8x128xf32, #tpu.memory_space<vmem>>
      %dma_wait3A_67 = tpu.memref_squeeze %dma_wait3A_66 : memref<1x1024x8x128xf32, #tpu.memory_space<vmem>> -> memref<1024x8x128xf32, #tpu.memory_space<vmem>>
      tpu.wait_dma2 semaphore(%dma_wait3A_58 : memref<!tpu.dma_semaphore, #tpu.memory_space<semaphore_mem>>) src(%dma_wait3A_67 : memref<1024x8x128xf32, #tpu.memory_space<vmem>>) dst(%dma_wait3A_62 : memref<1024x8x128xf32, #tpu.memory_space<any>>)
      %rem3A_68 = arith.constant 31 : i32
      %rem3A_69 = arith.constant 4 : i32
      %rem3A_70 = arith.remsi %rem3A_68, %rem3A_69 : i32
      %dma_wait3A_71 = tpu.memref_slice %arg4[%rem3A_70] : memref<4x!tpu.dma_semaphore, #tpu.memory_space<semaphore_mem>> -> memref<1x!tpu.dma_semaphore, #tpu.memory_space<semaphore_mem>>
      %dma_wait3A_72 = tpu.memref_squeeze %dma_wait3A_71 : memref<1x!tpu.dma_semaphore, #tpu.memory_space<semaphore_mem>> -> memref<!tpu.dma_semaphore, #tpu.memory_space<semaphore_mem>>
      %dma_wait3A_73 = arith.constant 31744 : i32
      %dma_wait3A_74 = arith.constant 0 : i32
      %dma_wait3A_75 = arith.constant 0 : i32
      %dma_wait3A_76 = tpu.memref_slice %arg2[%dma_wait3A_73, %dma_wait3A_74, %dma_wait3A_75] : memref<32768x8x128xf32, #tpu.memory_space<any>> -> memref<1024x8x128xf32, #tpu.memory_space<any>>
      %dma_wait3A_77 = arith.constant 0 : i32
      %dma_wait3A_78 = arith.constant 0 : i32
      %dma_wait3A_79 = arith.constant 0 : i32
      %dma_wait3A_80 = tpu.memref_slice %arg3[%rem3A_70, %dma_wait3A_77, %dma_wait3A_78, %dma_wait3A_79] : memref<4x1024x8x128xf32, #tpu.memory_space<vmem>> -> memref<1x1024x8x128xf32, #tpu.memory_space<vmem>>
      %dma_wait3A_81 = tpu.memref_squeeze %dma_wait3A_80 : memref<1x1024x8x128xf32, #tpu.memory_space<vmem>> -> memref<1024x8x128xf32, #tpu.memory_space<vmem>>
      tpu.wait_dma2 semaphore(%dma_wait3A_72 : memref<!tpu.dma_semaphore, #tpu.memory_space<semaphore_mem>>) src(%dma_wait3A_81 : memref<1024x8x128xf32, #tpu.memory_space<vmem>>) dst(%dma_wait3A_76 : memref<1024x8x128xf32, #tpu.memory_space<any>>)
    } else {
    }
    return
  }
  func.func @transform_0(%arg0: i32) -> (i32, i32) {
    %c0_i32 = arith.constant 0 : i32
    %c0_i32_0 = arith.constant 0 : i32
    return %arg0, %c0_i32 : i32, i32
  }
}

</mosaic_0001>

<sc_bundles>
// kernel: kernel.4.cloned.1.call-start
scs
__scs_entry_jumppad:
0x0: {  	(pc) =	sbr.rel $0x88, $3  }
0x1: {  	(tag) =	ssettag $0x0;
	lr =	simm.s32 $0x1  }
0x2: {  	[smem:$0x3F9E] =	sst lr;
	_ =	strace $0xD0000000  }
0x3: {  	_ = 	snop  }
0x4: {  	_ = 	snop  }
0x5: {  	_ = 	snop  }
0x6: {  	_ = 	snop  }
0x7: {  	_ = 	snop  }
__scs_overlays_trampoline_lowered:
0x8: {  	[smem:$0x3FAD] =	sst s0  }
0x9: {  	[smem:$0x3FAE] =	sst s1  }
0xa: {  	[smem:$0x3FAF] =	sst s2  }
0xb: {  	[smem:$0x3FB0] =	sst s3  }
0xc: {  	[smem:$0x3FB1] =	sst s4  }
0xd: {  	[smem:$0x3FB2] =	sst s5  }
0xe: {  	[smem:$0x3FB3] =	sst s6  }
0xf: {  	[smem:$0x3FB4] =	sst s7  }
0x10: {  	[smem:$0x3FB5] =	sst s8  }
0x11: {  	[smem:$0x3FB6] =	sst s9;
	s0 =	simm.s32 @!p0 $0x0  }
0x12: {  	s1 =	sld [smem:$0x3F9C];
	s0 =	simm.s32 @p0 $0x1  }
0x13: {  	[smem:$0x3FB7] =	sst s0;
	s0 =	simm.s32 @!p1 $0x0  }
0x14: {  	s2 =	sld [smem:$0x3F9B];
	s0 =	simm.s32 @p1 $0x1  }
0x15: {  	[smem:$0x3FB8] =	sst s0;
	s0 =	simm.s32 @!p2 $0x0  }
0x16: {  	s3 =	sld [smem:$0x3FDB];
	s0 =	simm.s32 @p2 $0x1  }
0x17: {  	s4 =	simm.s32 $0x1BF5;
	[smem:$0x3FBA] =	sst s0  }
0x18: {  	s0 =	sld [smem:$0x3F9D];
	_ =	swait.ge [sflag:s4], $0x0  }
0x19: {  	s7 =	sld [smem:$0x3F9E]  }
0x1a: {  	s8 =	sadd.s32 $0xFFFFE003, lr  }
0x1b: {  	s9 =	sadd.s32 $0xFFFFFEF7, lr;
	s5 =	simm.s32 $0xFFFFFFFF;
	p2 =	slt.u32 s8, $0xFFFFF086  }
0x1c: {  	p1 =	slt.u32 s9, $0xF7A;
	s5 =	simm.s32 @!p2 $0x0  }
0x1d: {  	s5 =	simm.s32 @p1 $0x1;
	p0 =	seq.s32 s7, s2  }
0x1e: {  	s7 =	smul.u32 @!p0 $0xF7A, s2;
	p2 =	seq.s32 @!p0 s5, $0x0  }
0x1f: {  	s9 =	smul.u32 $0xF7A, s1;
	s8 =	simm.s32 @!p0 $0x1BF5;
	p2 =	por !p2, p0  }
0x20: {  	[sflag:s8] =	ssyncset.s32 @!p0 $0xFFFFF086;
	s6 =	sadd.s32 @!p0 s3, s7;
	s7 =	simm.s32 @!p0 $0x108  }
0x21: {  	s3 =	sadd.s32 s3, s9;
	s6 =	sadd.s32 @!p0 $0x88, s6;
	s7 =	simm.s32 @p2 $0x1082  }
0x22: {  	[simem:s7], [sflag:s8] =	dma.local @!p0 [hbm:s6], $0xF7A  }
0x23: {  	s9 =	sor.u32 $0xD0000000, s2;
	s6 =	simm.s32 $0x108;
	_ =	swait.ge @!p0 [sflag:s8], $0x0  }
0x24: {  	s3 =	sadd.s32 $0x88, s3;
	s6 =	simm.s32 @!p1 $0x1082;
	[sflag:s4] =	ssyncset.s32 $0xFFFFF086  }
0x25: {  	[simem:s6], [sflag:s4] =	dma.local [hbm:s3], $0xF7A  }
0x26: {  	[smem:$0x3F9E] =	sst s1;
	(tag) =	ssettag s2;
	_ =	strace s9  }
0x27: {  	s1 =	sld [smem:$0x3FAE]  }
0x28: {  	s2 =	sld [smem:$0x3FAF]  }
0x29: {  	s4 =	sld [smem:$0x3FB1]  }
0x2a: {  	p0 =	seq.s32 s5, $0x0;
	s5 =	sld [smem:$0x3FB2]  }
0x2b: {  	s6 =	sld [smem:$0x3FB3]  }
0x2c: {  	s7 =	sld [smem:$0x3FB4]  }
0x2d: {  	s3 =	simm.s32 $0x108;
	s8 =	sld [smem:$0x3FB5]  }
0x2e: {  	s3 =	simm.s32 @!p0 $0x1082;
	s9 =	sld [smem:$0x3FB6]  }
0x2f: {  	lr =	sadd.s32 s0, s3;
	s0 =	sld [smem:$0x3FAD]  }
0x30: {  	s3 =	sld [smem:$0x3FB0]  }
0x31: {  	[smem:$0x3FB9] =	sst s10  }
0x32: {  	s10 =	sld [smem:$0x3FB7];
	_ =	sdelay $0x3  }
0x33: {  	p0 =	seq.s32 s10, $0x1;
	s10 =	sld [smem:$0x3FB9];
	_ =	sdelay $0x3  }
0x34: {  	[smem:$0x3FB9] =	sst s10  }
0x35: {  	s10 =	sld [smem:$0x3FB8];
	_ =	sdelay $0x3  }
0x36: {  	p1 =	seq.s32 s10, $0x1;
	s10 =	sld [smem:$0x3FB9];
	_ =	sdelay $0x3  }
0x37: {  	[smem:$0x3FB9] =	sst s10  }
0x38: {  	s10 =	sld [smem:$0x3FBA]  }
0x39: {  	_ = 	snop;
	(pc) =	sbr.ind lr, $3  }
0x3a: {  	_ = 	snop  }
0x3b: {  	_ = 	snop  }
0x3c: {  	p2 =	seq.s32 s10, $0x1;
	s10 =	sld [smem:$0x3FB9]  }
0x3d: {  	_ =	shalt  }
0x3e: {  	_ =	shalt  }
0x3f: {  	_ =	shalt  }
0x40: {  	_ =	shalt  }
0x41: {  	_ =	shalt  }
0x42: {  	_ =	shalt  }
0x43: {  	_ =	shalt  }
0x44: {  	_ =	shalt  }
0x45: {  	_ =	shalt  }
0x46: {  	_ =	shalt  }
0x47: {  	_ =	shalt  }
0x48: {  	_ =	shalt  }
0x49: {  	_ =	shalt  }
0x4a: {  	_ =	shalt  }
0x4b: {  	_ =	shalt  }
0x4c: {  	_ =	shalt  }
0x4d: {  	_ =	shalt  }
0x4e: {  	_ =	shalt  }
0x4f: {  	_ =	shalt  }
0x50: {  	_ =	shalt  }
0x51: {  	_ =	shalt  }
0x52: {  	_ =	shalt  }
0x53: {  	_ =	shalt  }
0x54: {  	_ =	shalt  }
0x55: {  	_ =	shalt  }
0x56: {  	_ =	shalt  }
0x57: {  	_ =	shalt  }
0x58: {  	_ =	shalt  }
0x59: {  	_ =	shalt  }
0x5a: {  	_ =	shalt  }
0x5b: {  	_ =	shalt  }
0x5c: {  	_ =	shalt  }
0x5d: {  	_ =	shalt  }
0x5e: {  	_ =	shalt  }
0x5f: {  	_ =	shalt  }
0x60: {  	_ =	shalt  }
0x61: {  	_ =	shalt  }
0x62: {  	_ =	shalt  }
0x63: {  	_ =	shalt  }
0x64: {  	_ =	shalt  }
0x65: {  	_ =	shalt  }
0x66: {  	_ =	shalt  }
0x67: {  	_ =	shalt  }
0x68: {  	_ =	shalt  }
0x69: {  	_ =	shalt  }
0x6a: {  	_ =	shalt  }
0x6b: {  	_ =	shalt  }
0x6c: {  	_ =	shalt  }
0x6d: {  	_ =	shalt  }
0x6e: {  	_ =	shalt  }
0x6f: {  	_ =	shalt  }
0x70: {  	_ =	shalt  }
0x71: {  	_ =	shalt  }
0x72: {  	_ =	shalt  }
0x73: {  	_ =	shalt  }
0x74: {  	_ =	shalt  }
0x75: {  	_ =	shalt  }
0x76: {  	_ =	shalt  }
0x77: {  	_ =	shalt  }
0x78: {  	_ =	shalt  }
0x79: {  	_ =	shalt  }
0x7a: {  	_ =	shalt  }
0x7b: {  	_ =	shalt  }
0x7c: {  	_ =	shalt  }
0x7d: {  	_ =	shalt  }
0x7e: {  	_ =	shalt  }
0x7f: {  	_ =	shalt  }
0x80: {  	_ =	shalt  }
0x81: {  	_ =	shalt  }
0x82: {  	_ =	shalt  }
0x83: {  	_ =	shalt  }
0x84: {  	_ =	shalt  }
0x85: {  	_ =	shalt  }
0x86: {  	_ =	shalt  }
0x87: {  	_ =	shalt  }
.Lfunc_end0:
.L_simem_size_0:
called_computation_lowered:
.L_overlay_start_0:
0x88: {  	s2 =	sld [smem:$0x3FD9]  }
0x89: {  	s3 =	sld [smem:$0x3FFE];
	_ =	sdelay $0x1  }
0x8a: {  	s1 =	srdreg.scid  }
0x8b: {  	s0 =	sand.u32 $0x1, s1  }
0x8c: {  	s14 =	sshll.u32 s0, $0xA;
	s2 =	sadd.s32 s3, s2  }
0x8d: {  	s2 =	sadd.s32 s2, s14  }
0x8e: {  	[smem:$0x3FC5] =	sst s2  }
0x8f: {  	_ = 	snop  }
0x90: {  	s2 =	sld [smem:$0x3FD0];
	_ =	sdelay $0x2  }
0x91: {  	s15 =	simm.s32 $0xA;
	s4 =	simm.s32 $0x10  }
0x92: {  	[smem:s4], [sflag:s15] =	dma.local [hbm:s2], $0x1  }
0x93: {  	_ =	swait.eq [sflag:s15], $0x1  }
0x94: {  	[sflag:s15] =	ssyncset.done $0x0  }
0x95: {  	s16 =	sld [smem:$0x11];
	[sflag:s15] =	ssyncadd.s32 $0xFFFFFFFF  }
0x96: {  	s17 =	sld [smem:$0x12];
	(tm) =	ssettm $0x1  }
0x97: {  	s18 =	sld [smem:$0x3FFB];
	_ =	sdelay $0x3  }
0x98: {  	_ =	strace s18  }
0x99: {  	s4 =	sld [smem:$0x3FFC];
	_ =	sdelay $0x3  }
0x9a: {  	_ =	strace s4  }
0x9b: {  	s4 =	sld [smem:$0x3FFD];
	_ =	sdelay $0x3  }
0x9c: {  	_ =	strace s4  }
0x9d: {  	_ =	strace $0x8FFFFFFF  }
0x9e: {  	s19 =	sld [smem:$0x3FDB];
	_ =	sdelay $0x1  }
0x9f: {  	s5 =	simm.s32 $_scs_section_size  }
0xa0: {  	s6 =	simm.s32 $_size__tile_overlayer_lowered;
	s7 =	simm.s32 $_tile_overlayer_lowered  }
0xa1: {  	s22 =	simm.s32 $0x1BFF;
	s21 =	sshll.u32 s7, $0x1;
	s4 =	sadd.s32 s5, s19  }
0xa2: {  	s8 =	simm.s32 $0x0;
	s20 =	sshll.u32 s6, $0x1;
	s6 =	sadd.s32 s21, s4  }
0xa3: {  	[timem:s8], [sflag:s22] =	dma.local [hbm:s6], s20  }
0xa4: {  	_ =	swait.ge [sflag:s22], s20  }
0xa5: {  	s5 =	ssub.s32 $0x0, s20;
	[sflag:s22] =	ssyncset.done $0x0  }
0xa6: {  	[sflag:s22] =	ssyncadd.s32 s5;
	_ =	sdelay $0x1  }
0xa7: {  	s23 =	simm.s32 $0x1B8B  }
0xa8: {  	_ =	swait.ge [sflag:s23], $0x1  }
0xa9: {  	[sflag:s23] =	ssyncset.done $0x0  }
0xaa: {  	s25 =	simm.s32 $0x1B8E;
	s24 =	sld [smem:$0x3FFE];
	[sflag:s23] =	ssyncadd.s32 $0xFFFFFFFF  }
0xab: {  	s26 =	simm.s32 $execute0_lowered;
	[smem:$0x3FD2] =	sst s25  }
0xac: {  	s6 =	sshll.u32 s26, $0x1;
	_ =	strace $0x80000046;
	[dreg:$0x1] =	wrdreg $0xFFFFFFFF  }
0xad: {  	s28 =	simm.s32 $_size_execute0_lowered;
	s4 =	sadd.s32 s4, s6;
	[dreg:$0x0] =	wrdreg $0x0  }
0xae: {  	s6 =	sshll.u32 s28, $0x1;
	[dreg:$0x2] =	wrdreg s4  }
0xaf: {  	[dreg:$0x3] =	wrdreg s6  }
0xb0: {  	[dreg:$0x4] =	wrdreg $0xC0  }
0xb1: {  	_ =	task [dreg:s8], $0x5FFFF  }
0xb2: {  	[dreg:$0x1] =	wrdreg $0xFFFFFFFF  }
0xb3: {  	[dreg:$0x0] =	wrdreg $0x60  }
0xb4: {  	[dreg:$0x2] =	wrdreg s24  }
0xb5: {  	[dreg:$0x3] =	wrdreg s16  }
0xb6: {  	[dreg:$0x4] =	wrdreg s17  }
0xb7: {  	[dreg:$0x5] =	wrdreg $0x9  }
0xb8: {  	_ =	task.clear_ibuf [dreg:s8], $0x6FFFF;
	_ =	strace $0x90000046  }
0xb9: {  	s29 =	simm.s32 $0x9;
	_ =	strace $0x80000048  }
0xba: {  	_ =	swait.ge [sflag:s29], $0x1  }
0xbb: {  	[sflag:s29] =	ssyncadd.s32 $0xFFFFFFFF  }
0xbc: {  	_ =	strace $0x90000048  }
0xbd: {  	_ =	sfence  }
0xbe: {  	s30 =	sld [smem:$0x0];
	_ =	sdelay $0x2  }
0xbf: {  	s31 =	sshll.u32 s1, $0xD;
	s1 =	sshrl.u32 s1, $0x2  }
0xc0: {  	s3 =	sand.u32 $0x4000, s31;
	s1 =	sadd.s32 s1, s30  }
0xc1: {  	s0 =	sor.u32 s3, s0;
	s1 =	sshll.u32 s1, $0x11  }
0xc2: {  	s0 =	sor.u32 s1, s0  }
0xc3: {  	s0 =	sadd.s32 $0x8F2B, s0  }
0xc4: {  	[sflag:s0] =	ssyncadd.remote.s32 $0x1  }
0xc5: {  	_ =	sfence.sel $0xFFFF  }
0xc6: {  	[dreg:$0x0] =	wrdreg $0xFFFFFFFF;
	(pc) =	sbr.abs _section_cstart, $3  }
0xc7: {  	[dreg:$0x1] =	wrdreg $0xFFFFFFFF  }
0xc8: {  	_ =	task.clear_ibuf [dreg:s8], $0x2FFFF;
	_ =	strace $0x9FFFFFFF  }
0xc9: {  	(tm) =	ssettm $0x7FFFFFFF  }
tec
execute0_lowered:
.L_overlay_start_1:
0x0: {  	(tag) =	ssettag $0x1  }
0x1: {  	s6 =	rddreg [dreg:$0x0]  }
0x2: {  	s1 =	srdreg.scid;
	s8 =	rddreg [dreg:$0x1]  }
0x3: {  	s0 =	stileid.u32;
	s2 =	rddreg [dreg:$0x2];
	s3 =	simm.s32 $0x0  }
0x4: {  	s12 =	simm.s32 $0x6D00;
	s4 =	sand.u32 $0x1, s1;
	s1 =	rddreg [dreg:$0x3]  }
0x5: {  	s14 =	simm.s32 $0x0;
	s31 =	sshll.u32 s0, $0x1;
	[smem:$0x7FF] =	sst s3  }
0x6: {  	s13 =	sor.u32 s4, s31;
	_ =	strace $0x80000047;
	s9 =	ssub.s32 $0x2, s4  }
0x7: {  	s4 =	sadd.s32 $0x4E00, s6;
	s5 =	smul.u32 $0x180, s13;
	s10 =	sshrl.u32 s9, $0x1  }
0x8: {  	s11 =	smul.u32 $0xC00, s13;
	p0 =	sne.s32 s13, $0x0;
	s13 =	simm.s32 $0xC00  }
0x9: {  	s9 =	ssub.s32 s9, s10;
	s10 =	simm.s32 $0x1;
	s7 =	sadd.s32 s5, s6  }
0xa: {  	s5 =	sadd.s32 $0x5200, s6;
	s6 =	sadd.s32 $0x5000, s6;
	s8 =	sadd.s32 s8, s11  }
0xb: {  	s9 =	smax.u32 s9, $0x1;
	s11 =	simm.s32 $0x6C80;
	s7 =	sadd.s32 $0x1E00, s7  }
.LBB2_1:
0xc: {  	[tilespmem:s3], [sflag:$0x1] =	stream.linear.gather [hbm4b:s7+s3], $0xC00, $0x38;
	[tilespmem:$0x6D80] =	vst v63  }
0xd: {  	_ =	swait.ge [sflag:s10], $0xC00  }
0xe: {  	[sflag:s10] =	ssyncset.done $0x0  }
0xf: {  	[sflag:s10] =	ssyncadd.s32 $0xFFFFF400  }
0x10: {  	[tilespmem:s11], [sflag:$0x1] =	stream.linear.gather [hbm4b:s5+s3], $0x80, $0x38;
	[tilespmem:$0x6D80] =	vst v63  }
0x11: {  	_ =	swait.ge [sflag:s10], $0x80  }
0x12: {  	[sflag:s10] =	ssyncset.done $0x0  }
0x13: {  	[sflag:s10] =	ssyncadd.s32 $0xFFFFFF80  }
0x14: {  	[tilespmem:s12], [sflag:$0x1] =	stream.linear.gather [hbm4b:s6+s3], $0x80, $0x38;
	[tilespmem:$0x6D80] =	vst v63  }
0x15: {  	_ =	swait.ge [sflag:s10], $0x80  }
0x16: {  	[sflag:s10] =	ssyncset.done $0x0  }
0x17: {  	s15 =	simm.s32 $0xC20;
	s16 =	simm.s32 $0x0;
	[sflag:s10] =	ssyncadd.s32 $0xFFFFFF80  }
.LBB2_2:
0x18: {  	v0 =	vld [tilespmem:$0x6C80];
	_ =	sdelay $0x4  }
0x19: {  	v0 =	vadd.s32 s16, v0;
	_ =	sdelay $0x4  }
0x1a: {  	v0 =	vld.idx.msk [tilespmem:v0+s3+$0x0], $0xffff  }
0x1b: {  	v1 =	vld [tilespmem:$0x6D00];
	_ =	sdelay $0x3  }
0x1c: {  	v0 =	vshll.u32 v0, $0x1  }
0x1d: {  	v0 =	vadd.s32 v1, v0  }
0x1e: {  	[tilespmem:s15+$0xFFFFFFE0] =	vst v0  }
0x1f: {  	v0 =	vld [tilespmem:$0x6C90];
	_ =	sdelay $0x4  }
0x20: {  	v0 =	vadd.s32 s16, v0;
	_ =	sdelay $0x4  }
0x21: {  	v0 =	vld.idx.msk [tilespmem:v0+s3+$0x0], $0xffff  }
0x22: {  	v62 =	vld [tilespmem:$0x6D10];
	_ =	sdelay $0x3  }
0x23: {  	v0 =	vshll.u32 v0, $0x1  }
0x24: {  	v0 =	vadd.s32 v62, v0  }
0x25: {  	[tilespmem:s15+$0xFFFFFFF0] =	vst v0  }
0x26: {  	v0 =	vld [tilespmem:$0x6CA0];
	_ =	sdelay $0x4  }
0x27: {  	v0 =	vadd.s32 s16, v0;
	_ =	sdelay $0x4  }
0x28: {  	v0 =	vld.idx.msk [tilespmem:v0+s3+$0x0], $0xffff  }
0x29: {  	v63 =	vld [tilespmem:$0x6D20]  }
0x2a: {  	p1 =	sne.s32 s16, $0xBFA  }
.Ltmp0:
0x2b: {  	_ = 	snop;
	(pc) =	sbr.rel @p1 .LBB2_2-.Ltmp0, $4  }
0x2c: {  	_ = 	snop  }
0x2d: {  	v0 =	vshll.u32 v0, $0x1  }
0x2e: {  	v0 =	vadd.s32 v63, v0  }
0x2f: {  	s16 =	sadd.s32 $0x6, s16;
	[tilespmem:s15+$0x0] =	vst v0;
	s15 =	sadd.s32 $0x30, s15  }
0x30: {  	[hbm4b:s8+s3] =	stream.linear.scatter [tilespmem:s13], [sflag:$0x1], $0x6000, $0x38;
	[tilespmem:$0x6D80] =	vst v63  }
0x31: {  	_ =	swait.ge [sflag:s10], $0x6000  }
0x32: {  	s15 =	simm.s32 @!p0 $0x0;
	[sflag:s10] =	ssyncset.done $0x0  }
0x33: {  	s16 =	simm.s32 @!p0 $0x6C00;
	s17 =	simm.s32 @!p0 $0x1;
	[sflag:s10] =	ssyncadd.s32 $0xFFFFA000  }
0x34: {  	[tilespmem:s16], [sflag:$0x1] =	stream.linear.gather @!p0 [hbm4b:s4+s15], $0x80, $0x38;
	[tilespmem:$0x6D80] =	vst v63  }
0x35: {  	_ =	swait.ge @!p0 [sflag:s17], $0x80  }
0x36: {  	[sflag:s17] =	ssyncset.done @!p0 $0x0  }
0x37: {  	[sflag:s17] =	ssyncadd.s32 @!p0 $0xFFFFFF80  }
0x38: {  	v0 =	vld @!p0 [tilespmem:$0x6C00];
	_ =	sdelay $0x3  }
0x39: {  	s14 =	sadd.s32 $0x1, s14  }
0x3a: {  	p1 =	sne.s32 s14, s9;
	v0 =	vshll.u32 @!p0 v0, $0x3  }
.Ltmp1:
0x3b: {  	[tilespmem:$0x6C00] =	vst @!p0 v0;
	(pc) =	sbr.rel @p1 .LBB2_1-.Ltmp1, $4  }
0x3c: {  	[hbm4b:s2+s15] =	stream.linear.scatter @!p0 [tilespmem:s16], [sflag:$0x1], $0x80, $0x38;
	[tilespmem:$0x6D80] =	vst v63  }
0x3d: {  	_ =	swait.ge @!p0 [sflag:s17], $0x80  }
0x3e: {  	[sflag:s17] =	ssyncset.done @!p0 $0x0  }
0x3f: {  	[sflag:s17] =	ssyncadd.s32 @!p0 $0xFFFFFF80  }
0x40: {  	_ =	sfence.sel $0x180000  }
0x41: {  	[bflag:$0x0] =	sbarrier.arrive $0xFFFF  }
0x42: {  	p0 =	sne.s32 s0, $0x0;
	_ =	strace $0x90000047  }
0x43: {  	s0 =	sadd.s32 @!p0 $0x100000, s1;
	[bflag:$0x2] =	sbarrier.arrive $0xFFFF  }
0x44: {  	[sflag:s0] =	ssyncadd.tile.s32 @!p0 $0x1;
	_ =	shalt  }
.Lfunc_end2:
_tile_overlayer_lowered:
.L_overlay_start_2:
0x45: {  	(tag) =	ssettag $0x2  }
0x46: {  	s0 =	rddreg [dreg:$0x0];
	s2 =	stileid.u32  }
0x47: {  	s1 =	rddreg [dreg:$0x1];
	p0 =	sne.s32 s2, $0x0  }
0x48: {  	s3 =	rddreg [dreg:$0x2];
	[bflag:$0x3] =	sbarrier.arrive $0xFFFF;
	s2 =	simm.s32 @!p0 $0x1C01  }
0x49: {  	[timem:s3], [sflag:s2] =	dma.local @!p0 [hbm:s0], s1  }
0x4a: {  	s0 =	simm.s32 @!p0 $0x1  }
0x4b: {  	_ =	swait.ge @!p0 [sflag:s0], s1  }
0x4c: {  	s1 =	ssub.s32 @!p0 $0x0, s1;
	[sflag:s0] =	ssyncset.done @!p0 $0x0  }
0x4d: {  	[sflag:s0] =	ssyncadd.s32 @!p0 s1  }
0x4e: {  	[bflag:$0x3] =	sbarrier.arrive $0xFFFF  }
0x4f: {  	_ =	shalt  }

</sc_bundles>
